<compile_context>
chip_gen: v7x
topology: tpu7x:2x2x1
jax: 0.10.2.dev20260603
libtpu: 0.0.44.dev20260713+nightly
codegen_flags: <defaults>
</compile_context>

<pallas_src>
import functools

import jax
import jax.numpy as jnp
from jax import lax
from jax.experimental import pallas as pl
from jax.experimental.pallas import tpu as pltpu
from jax.experimental.pallas import tpu_sc as plsc

K = 1024
D = 256
B = 8192
COLLAPSE_TOL = 0.5
_RB = 256
_NSTEP = B // _RB


def _assign_body(x_ref, ct_ref, out_ref, cnt_ref):
    x = x_ref[...]
    ct = ct_ref[...]
    g = lax.dot_general(x, ct, (((1,), (0,)), ((), ())),
                        preferred_element_type=jnp.float32)
    b2 = jnp.sum(ct * ct, axis=0, keepdims=True)
    d2 = b2 - 2.0 * g
    out_ref[0, 0, :] = jnp.argmin(d2, axis=1).astype(jnp.int32)
    m = jnp.min(d2, axis=1, keepdims=True)
    oh = (d2 == m).astype(jnp.float32)
    cnt_ref[0, 0, :] = jnp.sum(oh, axis=0)


def _assign(batch, centers_t):
    out, cnt = pl.pallas_call(
        _assign_body,
        grid=(_NSTEP,),
        in_specs=[
            pl.BlockSpec((_RB, D), lambda i: (i, 0)),
            pl.BlockSpec((D, K), lambda i: (0, 0)),
        ],
        out_specs=[
            pl.BlockSpec((1, 1, _RB), lambda i: (i, 0, 0)),
            pl.BlockSpec((1, 1, K), lambda i: (i, 0, 0)),
        ],
        out_shape=[
            jax.ShapeDtypeStruct((_NSTEP, 1, _RB), jnp.int32),
            jax.ShapeDtypeStruct((_NSTEP, 1, K), jnp.float32),
        ],
    )(batch, centers_t)
    return out.reshape(B), cnt.reshape(_NSTEP, K)


_NC = 2
_NS = 16
_CHUNK = B // (_NC * _NS)
_RW = K // _NS


def _sc_body(batch_hbm, asg_hbm, ridx_hbm, zrow_hbm,
             sums_hbm, repl_hbm,
             rows_v, idx_v, ridx_v, rbuf_v, tab_sh,
             sem0, sem1, sem2, sem3, sem4, sem5):
    c = lax.axis_index("c")
    s = lax.axis_index("s")
    g = c * _NS + s
    zcp = pltpu.async_copy(zrow_hbm, tab_sh.at[pl.ds(s * _RW, _RW)], sem0)
    rcp = pltpu.async_copy(batch_hbm.at[pl.ds(g * _CHUNK, _CHUNK)], rows_v,
                           sem1)
    icp = pltpu.async_copy(asg_hbm.at[pl.ds(g * 2, 2)], idx_v, sem2)
    xcp = pltpu.async_copy(ridx_hbm.at[pl.ds(g * 32, 32)], ridx_v, sem3)
    xcp.wait()
    gcp = pltpu.async_copy(batch_hbm.at[ridx_v], rbuf_v, sem3)
    zcp.wait()
    rcp.wait()
    icp.wait()
    plsc.subcore_barrier()
    s0 = pltpu.async_copy(rows_v.at[pl.ds(0, 128)],
                          tab_sh.at[idx_v.at[0]], sem4, add=True)
    s1 = pltpu.async_copy(rows_v.at[pl.ds(128, 128)],
                          tab_sh.at[idx_v.at[1]], sem5, add=True)
    gcp.wait()
    wcp = pltpu.async_copy(rbuf_v, repl_hbm.at[g], sem3)
    s0.wait()
    s1.wait()
    wcp.wait()
    plsc.subcore_barrier()
    pltpu.sync_copy(tab_sh.at[pl.ds(s * _RW, _RW)],
                    sums_hbm.at[c, pl.ds(s * _RW, _RW)])


def _sc_scatter(batch, assignments, repl_idx):
    mesh = plsc.VectorSubcoreMesh(core_axis_name="c", subcore_axis_name="s")
    f = pl.kernel(
        _sc_body,
        out_type=[
            jax.ShapeDtypeStruct((_NC, K, D), jnp.float32),
            jax.ShapeDtypeStruct((_NC * _NS, 32, D), jnp.float32),
        ],
        mesh=mesh,
        scratch_types=[
            pltpu.VMEM((_CHUNK, D), jnp.float32),
            pltpu.VMEM((2, 128), jnp.int32),
            pltpu.VMEM((32,), jnp.int32),
            pltpu.VMEM((32, D), jnp.float32),
            pltpu.VMEM_SHARED((K, D), jnp.float32),
            pltpu.SemaphoreType.DMA,
            pltpu.SemaphoreType.DMA,
            pltpu.SemaphoreType.DMA,
            pltpu.SemaphoreType.DMA,
            pltpu.SemaphoreType.DMA,
            pltpu.SemaphoreType.DMA,
        ],
        compiler_params=pltpu.CompilerParams(use_tc_tiling_on_sc=False),
    )
    sums, repl = f(batch, assignments.reshape(64, 128), repl_idx,
                   jnp.zeros((_RW, D), jnp.float32))
    return sums, repl.reshape(K, D)


def _update_body(c_ref, prev_ref, sums_ref, cp_ref, repl_ref,
                 c1_ref, lm_ref, lr_ref, nl_ref):
    f32 = jnp.float32
    c = c_ref[...]
    prev = prev_ref[...]
    sp = sums_ref[...]
    sums = sp[0] + sp[1]
    ones_n = jnp.ones((_NSTEP, 1), f32)
    cb = lax.dot_general(cp_ref[...], ones_n, (((0,), (0,)), ((), ())),
                         preferred_element_type=f32)
    empty = jnp.logical_and(prev == 0.0, cb == 0.0)
    cb = jnp.where(empty, 1.0, cb)
    sums = jnp.where(empty, repl_ref[...], sums)
    newc = prev + cb
    den = jnp.where(newc > 0.0, newc, 1.0)
    updated = (c * prev + sums) / den
    c1 = jnp.where(cb > 0.0, updated, c)
    c1_ref[...] = c1
    p = lax.dot_general(c1, c1, (((1,), (1,)), ((), ())),
                        preferred_element_type=f32)
    n2 = jnp.sum(c1 * c1, axis=1, keepdims=True)
    ones = jnp.ones((K, 1), f32)
    n2t = lax.dot_general(ones, n2, (((1,), (1,)), ((), ())),
                          preferred_element_type=f32)
    d2p = n2 + n2t - 2.0 * p
    rowi = lax.broadcasted_iota(jnp.int32, (K, K), 0)
    colj = lax.broadcasted_iota(jnp.int32, (K, K), 1)
    close = jnp.logical_and(d2p < COLLAPSE_TOL * COLLAPSE_TOL, colj > rowi)
    newct = lax.dot_general(ones, newc, (((1,), (1,)), ((), ())),
                            preferred_element_type=f32)
    cnt_le = newc <= newct
    li = jnp.max(jnp.where(jnp.logical_and(close, cnt_le), 1.0, 0.0),
                 axis=1, keepdims=True)
    ljsrc = jnp.where(jnp.logical_and(close, jnp.logical_not(cnt_le)), 1.0, 0.0)
    ljc = lax.dot_general(ljsrc, ones, (((0,), (0,)), ((), ())),
                          preferred_element_type=f32)
    lm = jnp.maximum(li, jnp.where(ljc > 0.0, 1.0, 0.0))
    lm_ref[...] = lm
    tril = (colj <= rowi).astype(f32)
    rank = lax.dot_general(tril, lm, (((1,), (0,)), ((), ())),
                           preferred_element_type=f32)
    nl_ref[...] = jnp.sum(lm, axis=(0, 1), keepdims=True)
    lr_ref[...] = jnp.clip(rank - 1.0, 0.0, float(B - 1)).astype(jnp.int32)


def _update(centers, prev_counts, sums2, cnt_parts, repl):
    return pl.pallas_call(
        _update_body,
        out_shape=[
            jax.ShapeDtypeStruct((K, D), jnp.float32),
            jax.ShapeDtypeStruct((K, 1), jnp.float32),
            jax.ShapeDtypeStruct((K, 1), jnp.int32),
            jax.ShapeDtypeStruct((1, 1), jnp.float32),
        ],
    )(centers, prev_counts, sums2, cnt_parts, repl)


def _far_body(x_ref, ct1_ref, out_ref):
    x = x_ref[...]
    ct1 = ct1_ref[...]
    g = lax.dot_general(x, ct1, (((1,), (0,)), ((), ())),
                        preferred_element_type=jnp.float32)
    a2 = jnp.sum(x * x, axis=1, keepdims=True)
    b2 = jnp.sum(ct1 * ct1, axis=0, keepdims=True)
    d2 = jnp.maximum(a2 + b2 - 2.0 * g, 0.0)
    out_ref[0, 0, :] = jnp.max(d2, axis=1)


def _farthest(batch, centers1_t):
    out = pl.pallas_call(
        _far_body,
        grid=(_NSTEP,),
        in_specs=[
            pl.BlockSpec((_RB, D), lambda i: (i, 0)),
            pl.BlockSpec((D, K), lambda i: (0, 0)),
        ],
        out_specs=pl.BlockSpec((1, 1, _RB), lambda i: (i, 0, 0)),
        out_shape=jax.ShapeDtypeStruct((_NSTEP, 1, _RB), jnp.float32),
    )(batch, centers1_t)
    return out.reshape(B)


def kernel(batch, cluster_centers, cluster_counts):
    assignments, cnt_parts = _assign(batch, cluster_centers.T)
    repl_idx = jax.random.randint(jax.random.key(1), (K,), 0, B)
    sums2, replacement = _sc_scatter(batch, assignments, repl_idx)
    centers1, lm, lr, nl = _update(
        cluster_centers, cluster_counts.reshape(K, 1), sums2,
        cnt_parts, replacement)

    def split_branch():
        far = _farthest(batch, centers1.T)
        _, order = lax.top_k(far, K)
        repl2 = batch[order[lr.reshape(K)]]
        return jnp.where(lm > 0.0, repl2, centers1)

    return lax.cond(nl[0, 0] > 0.0, split_branch, lambda: centers1)

# --- scband reference (transcript-rebuilt; emitter-appended) ---
"""Pipeline reference for scband-mini-batch-kmeans-17188459119174 (READ-ONLY COPY).

The authoritative reference and input builder live on the scoring server;
editing this copy changes nothing except your own understanding.
"""

import jax, jax.numpy as jnp
import numpy as np

K = 1024
D = 256
B = 8192
COLLAPSE_TOL = 0.5


def _cdist(a, b):
    a2 = jnp.sum(a * a, axis=1, keepdims=True)
    b2 = jnp.sum(b * b, axis=1)
    d2 = a2 + b2[None, :] - 2.0 * (a @ b.T)
    return jnp.sqrt(jnp.maximum(d2, 0.0))


def setup_inputs(seed: int = 0) -> dict:
    key = jax.random.key(seed)
    k1, k2, k3 = jax.random.split(key, 3)
    batch = jax.random.normal(k1, (B, D), dtype=jnp.float32)
    cluster_centers = jax.random.normal(k2, (K, D), dtype=jnp.float32)
    cluster_counts = jax.random.randint(k3, (K,), 0, 50).astype(jnp.float32)
    return {"batch": batch, "cluster_centers": cluster_centers, "cluster_counts": cluster_counts}


def reference(batch, cluster_centers, cluster_counts):
    k = cluster_centers.shape[0]
    n = batch.shape[0]
    # --- partial_fit step ---
    distances = jax.lax.stop_gradient(_cdist(batch, cluster_centers))  # feeds argmin only
    assignments = jnp.argmin(distances, axis=1)
    counts_batch = jnp.bincount(assignments, length=k).astype(batch.dtype)
    sums_batch = jnp.zeros_like(cluster_centers).at[assignments].add(batch)
    prev_counts = cluster_counts
    empty = (prev_counts == 0) & (counts_batch == 0)
    # deterministic stand-in for torch.randint replacement sampling
    repl_idx = jax.random.randint(jax.random.key(1), (k,), 0, n)
    replacement = batch[repl_idx]
    counts_batch = jnp.where(empty, jnp.asarray(1.0, batch.dtype), counts_batch)
    sums_batch = jnp.where(empty[:, None], replacement, sums_batch)
    new_counts = prev_counts + counts_batch
    mask = counts_batch > 0
    safe_den = jnp.where(new_counts > 0, new_counts, 1.0)[:, None]
    updated = (cluster_centers * prev_counts[:, None] + sums_batch) / safe_den
    centers1 = jnp.where(mask[:, None], updated, cluster_centers)
    # --- split collapsed centers ---
    pairwise = jax.lax.stop_gradient(_cdist(centers1, centers1))
    close = jnp.triu(pairwise < COLLAPSE_TOL, k=1)
    cnt_le = new_counts[:, None] <= new_counts[None, :]
    loser_i = jnp.any(close & cnt_le, axis=1)
    loser_j = jnp.any(close & (~cnt_le), axis=0)
    loser_mask = loser_i | loser_j
    cand_dist = jax.lax.stop_gradient(_cdist(batch, centers1))
    farthest = jnp.max(cand_dist, axis=1)
    order = jnp.argsort(-farthest)
    loser_rank = jnp.cumsum(loser_mask.astype(jnp.int32)) - 1
    loser_rank = jnp.clip(loser_rank, 0, n - 1)
    repl2 = batch[order[loser_rank]]
    centers2 = jnp.where(loser_mask[:, None], repl2, centers1)
    return centers2

if __name__ == "__main__":
    import jax
    _d = setup_inputs()
    print(jax.jit(kernel)(*tuple(_d.values())))

</pallas_src>

<mosaic_0001>
#map = affine_map<(d0, d1) -> (0, 0)>
#map1 = affine_map<(d0, d1) -> (0)>
#map2 = affine_map<(d0, d1) -> (0, 0, 0)>
module attributes {stable_mosaic.version = 14 : i64} {
  func.func @_sc_body(%arg0: i32, %arg1: i32, %arg2: memref<8192x256xf32, #tpu.memory_space<hbm>>, %arg3: memref<64x128xi32, #tpu.memory_space<hbm>>, %arg4: memref<1024xi32, #tpu.memory_space<hbm>>, %arg5: memref<64x256xf32, #tpu.memory_space<hbm>>, %arg6: memref<2x1024x256xf32, #tpu.memory_space<hbm>>, %arg7: memref<32x32x256xf32, #tpu.memory_space<hbm>>, %arg8: memref<256x256xf32, #tpu.memory_space<vmem>>, %arg9: memref<2x128xi32, #tpu.memory_space<vmem>>, %arg10: memref<32xi32, #tpu.memory_space<vmem>>, %arg11: memref<32x256xf32, #tpu.memory_space<vmem>>, %arg12: memref<1024x256xf32, #tpu.memory_space<vmem_shared>>, %arg13: memref<!tpu.dma_semaphore, #tpu.memory_space<semaphore_mem>>, %arg14: memref<!tpu.dma_semaphore, #tpu.memory_space<semaphore_mem>>, %arg15: memref<!tpu.dma_semaphore, #tpu.memory_space<semaphore_mem>>, %arg16: memref<!tpu.dma_semaphore, #tpu.memory_space<semaphore_mem>>, %arg17: memref<!tpu.dma_semaphore, #tpu.memory_space<semaphore_mem>>, %arg18: memref<!tpu.dma_semaphore, #tpu.memory_space<semaphore_mem>>) attributes {dimension_semantics = [#tpu.dimension_semantics<core_parallel>, #tpu.dimension_semantics<subcore_parallel>], iteration_bounds = array<i64: 2, 16>, scalar_prefetch = 0 : i64, scratch_operands = 11 : i64, tpu.core_type = #tpu.core_type<sc_vector_subcore>, window_params = [{transform_indices = #map}, {transform_indices = #map}, {transform_indices = #map1}, {transform_indices = #map}, {transform_indices = #map2}, {transform_indices = #map2}]} {
    %mul3A = arith.constant 16 : i32
    %mul3A_0 = arith.muli %arg0, %mul3A : i32
    %add3A = arith.addi %mul3A_0, %arg1 : i32
    %mul3A_1 = arith.constant 64 : i32
    %mul3A_2 = arith.muli %arg1, %mul3A_1 : i32
    %dma_start3A = arith.constant 0 : i32
    %dma_start3A_3 = tpu.memref_slice %arg12[%mul3A_2, %dma_start3A] : memref<1024x256xf32, #tpu.memory_space<vmem_shared>> -> memref<64x256xf32, #tpu.memory_space<vmem_shared>>
    tpu.enqueue_dma source(%arg5 : memref<64x256xf32, #tpu.memory_space<hbm>>) target(%dma_start3A_3 : memref<64x256xf32, #tpu.memory_space<vmem_shared>>) target_semaphore(%arg13 : memref<!tpu.dma_semaphore, #tpu.memory_space<semaphore_mem>>)
    %mul3A_4 = arith.constant 256 : i32
    %mul3A_5 = arith.muli %add3A, %mul3A_4 : i32
    %dma_start3A_6 = arith.constant 0 : i32
    %dma_start3A_7 = tpu.memref_slice %arg2[%mul3A_5, %dma_start3A_6] : memref<8192x256xf32, #tpu.memory_space<hbm>> -> memref<256x256xf32, #tpu.memory_space<hbm>>
    %dma_start3A_8 = arith.constant 0 : i32
    %dma_start3A_9 = tpu.memref_slice %arg2[%mul3A_5, %dma_start3A_8] : memref<8192x256xf32, #tpu.memory_space<hbm>> -> memref<256x256xf32, #tpu.memory_space<hbm>>
    tpu.enqueue_dma source(%dma_start3A_9 : memref<256x256xf32, #tpu.memory_space<hbm>>) target(%arg8 : memref<256x256xf32, #tpu.memory_space<vmem>>) target_semaphore(%arg14 : memref<!tpu.dma_semaphore, #tpu.memory_space<semaphore_mem>>)
    %mul3A_10 = arith.constant 2 : i32
    %mul3A_11 = arith.muli %add3A, %mul3A_10 : i32
    %dma_start3A_12 = arith.constant 0 : i32
    %dma_start3A_13 = tpu.memref_slice %arg3[%mul3A_11, %dma_start3A_12] : memref<64x128xi32, #tpu.memory_space<hbm>> -> memref<2x128xi32, #tpu.memory_space<hbm>>
    %dma_start3A_14 = arith.constant 0 : i32
    %dma_start3A_15 = tpu.memref_slice %arg3[%mul3A_11, %dma_start3A_14] : memref<64x128xi32, #tpu.memory_space<hbm>> -> memref<2x128xi32, #tpu.memory_space<hbm>>
    tpu.enqueue_dma source(%dma_start3A_15 : memref<2x128xi32, #tpu.memory_space<hbm>>) target(%arg9 : memref<2x128xi32, #tpu.memory_space<vmem>>) target_semaphore(%arg15 : memref<!tpu.dma_semaphore, #tpu.memory_space<semaphore_mem>>)
    %mul3A_16 = arith.constant 32 : i32
    %mul3A_17 = arith.muli %add3A, %mul3A_16 : i32
    %dma_start3A_18 = tpu.memref_slice %arg4[%mul3A_17] : memref<1024xi32, #tpu.memory_space<hbm>> -> memref<32xi32, #tpu.memory_space<hbm>>
    %dma_start3A_19 = tpu.memref_slice %arg4[%mul3A_17] : memref<1024xi32, #tpu.memory_space<hbm>> -> memref<32xi32, #tpu.memory_space<hbm>>
    tpu.enqueue_dma source(%dma_start3A_19 : memref<32xi32, #tpu.memory_space<hbm>>) target(%arg10 : memref<32xi32, #tpu.memory_space<vmem>>) target_semaphore(%arg16 : memref<!tpu.dma_semaphore, #tpu.memory_space<semaphore_mem>>)
    %dma_wait3A = tpu.memref_slice %arg4[%mul3A_17] : memref<1024xi32, #tpu.memory_space<hbm>> -> memref<32xi32, #tpu.memory_space<hbm>>
    %dma_wait3A_20 = tpu.memref_slice %arg4[%mul3A_17] : memref<1024xi32, #tpu.memory_space<hbm>> -> memref<32xi32, #tpu.memory_space<hbm>>
    tpu.wait_dma2 semaphore(%arg16 : memref<!tpu.dma_semaphore, #tpu.memory_space<semaphore_mem>>) src(%dma_wait3A_20 : memref<32xi32, #tpu.memory_space<hbm>>) dst(%arg10 : memref<32xi32, #tpu.memory_space<vmem>>)
    %dma_start3A_21 = arith.constant 0 : i32
    %dma_start3A_22 = arith.constant 0 : i32
    %dma_start3A_23 = tpu.memref_slice %arg2[%dma_start3A_21, %dma_start3A_22] : memref<8192x256xf32, #tpu.memory_space<hbm>> -> memref<8192x256xf32, #tpu.memory_space<hbm>>
    tpu.enqueue_indirect_dma source(%dma_start3A_23 : memref<8192x256xf32, #tpu.memory_space<hbm>>) target(%arg11 : memref<32x256xf32, #tpu.memory_space<vmem>>) offsets(%arg10 : memref<32xi32, #tpu.memory_space<vmem>>) semaphore(%arg16 : memref<!tpu.dma_semaphore, #tpu.memory_space<semaphore_mem>>)
    %dma_wait3A_24 = arith.constant 0 : i32
    %dma_wait3A_25 = tpu.memref_slice %arg12[%mul3A_2, %dma_wait3A_24] : memref<1024x256xf32, #tpu.memory_space<vmem_shared>> -> memref<64x256xf32, #tpu.memory_space<vmem_shared>>
    tpu.wait_dma2 semaphore(%arg13 : memref<!tpu.dma_semaphore, #tpu.memory_space<semaphore_mem>>) src(%arg5 : memref<64x256xf32, #tpu.memory_space<hbm>>) dst(%dma_wait3A_25 : memref<64x256xf32, #tpu.memory_space<vmem_shared>>)
    %dma_wait3A_26 = arith.constant 0 : i32
    %dma_wait3A_27 = tpu.memref_slice %arg2[%mul3A_5, %dma_wait3A_26] : memref<8192x256xf32, #tpu.memory_space<hbm>> -> memref<256x256xf32, #tpu.memory_space<hbm>>
    %dma_wait3A_28 = arith.constant 0 : i32
    %dma_wait3A_29 = tpu.memref_slice %arg2[%mul3A_5, %dma_wait3A_28] : memref<8192x256xf32, #tpu.memory_space<hbm>> -> memref<256x256xf32, #tpu.memory_space<hbm>>
    tpu.wait_dma2 semaphore(%arg14 : memref<!tpu.dma_semaphore, #tpu.memory_space<semaphore_mem>>) src(%dma_wait3A_29 : memref<256x256xf32, #tpu.memory_space<hbm>>) dst(%arg8 : memref<256x256xf32, #tpu.memory_space<vmem>>)
    %dma_wait3A_30 = arith.constant 0 : i32
    %dma_wait3A_31 = tpu.memref_slice %arg3[%mul3A_11, %dma_wait3A_30] : memref<64x128xi32, #tpu.memory_space<hbm>> -> memref<2x128xi32, #tpu.memory_space<hbm>>
    %dma_wait3A_32 = arith.constant 0 : i32
    %dma_wait3A_33 = tpu.memref_slice %arg3[%mul3A_11, %dma_wait3A_32] : memref<64x128xi32, #tpu.memory_space<hbm>> -> memref<2x128xi32, #tpu.memory_space<hbm>>
    tpu.wait_dma2 semaphore(%arg15 : memref<!tpu.dma_semaphore, #tpu.memory_space<semaphore_mem>>) src(%dma_wait3A_33 : memref<2x128xi32, #tpu.memory_space<hbm>>) dst(%arg9 : memref<2x128xi32, #tpu.memory_space<vmem>>)
    %barrier3A = arith.constant 0 : index
    tpu.barrier barrier_id(%barrier3A)
    %dma_start3A_34 = arith.constant 0 : i32
    %dma_start3A_35 = arith.constant 0 : i32
    %dma_start3A_36 = arith.constant 0 : i32
    %dma_start3A_37 = tpu.memref_slice %arg8[%dma_start3A_35, %dma_start3A_36] : memref<256x256xf32, #tpu.memory_space<vmem>> -> memref<128x256xf32, #tpu.memory_space<vmem>>
    %dma_start3A_38 = arith.constant 0 : i32
    %dma_start3A_39 = tpu.memref_slice %arg9[%dma_start3A_34, %dma_start3A_38] : memref<2x128xi32, #tpu.memory_space<vmem>> -> memref<1x128xi32, #tpu.memory_space<vmem>>
    %dma_start3A_40 = tpu.memref_squeeze %dma_start3A_39 : memref<1x128xi32, #tpu.memory_space<vmem>> -> memref<128xi32, #tpu.memory_space<vmem>>
    %dma_start3A_41 = arith.constant 0 : i32
    %dma_start3A_42 = arith.constant 0 : i32
    %dma_start3A_43 = tpu.memref_slice %arg12[%dma_start3A_41, %dma_start3A_42] : memref<1024x256xf32, #tpu.memory_space<vmem_shared>> -> memref<1024x256xf32, #tpu.memory_space<vmem_shared>>
    tpu.enqueue_indirect_dma source(%dma_start3A_37 : memref<128x256xf32, #tpu.memory_space<vmem>>) target(%dma_start3A_43 : memref<1024x256xf32, #tpu.memory_space<vmem_shared>>) offsets(%dma_start3A_40 : memref<128xi32, #tpu.memory_space<vmem>>) semaphore(%arg17 : memref<!tpu.dma_semaphore, #tpu.memory_space<semaphore_mem>>) {add = true}
    %dma_start3A_44 = arith.constant 1 : i32
    %dma_start3A_45 = arith.constant 128 : i32
    %dma_start3A_46 = arith.constant 0 : i32
    %dma_start3A_47 = tpu.memref_slice %arg8[%dma_start3A_45, %dma_start3A_46] : memref<256x256xf32, #tpu.memory_space<vmem>> -> memref<128x256xf32, #tpu.memory_space<vmem>>
    %dma_start3A_48 = arith.constant 0 : i32
    %dma_start3A_49 = tpu.memref_slice %arg9[%dma_start3A_44, %dma_start3A_48] : memref<2x128xi32, #tpu.memory_space<vmem>> -> memref<1x128xi32, #tpu.memory_space<vmem>>
    %dma_start3A_50 = tpu.memref_squeeze %dma_start3A_49 : memref<1x128xi32, #tpu.memory_space<vmem>> -> memref<128xi32, #tpu.memory_space<vmem>>
    %dma_start3A_51 = arith.constant 0 : i32
    %dma_start3A_52 = arith.constant 0 : i32
    %dma_start3A_53 = tpu.memref_slice %arg12[%dma_start3A_51, %dma_start3A_52] : memref<1024x256xf32, #tpu.memory_space<vmem_shared>> -> memref<1024x256xf32, #tpu.memory_space<vmem_shared>>
    tpu.enqueue_indirect_dma source(%dma_start3A_47 : memref<128x256xf32, #tpu.memory_space<vmem>>) target(%dma_start3A_53 : memref<1024x256xf32, #tpu.memory_space<vmem_shared>>) offsets(%dma_start3A_50 : memref<128xi32, #tpu.memory_space<vmem>>) semaphore(%arg18 : memref<!tpu.dma_semaphore, #tpu.memory_space<semaphore_mem>>) {add = true}
    %dma_wait3A_54 = arith.constant 0 : i32
    %dma_wait3A_55 = arith.constant 0 : i32
    %dma_wait3A_56 = tpu.memref_slice %arg2[%dma_wait3A_54, %dma_wait3A_55] : memref<8192x256xf32, #tpu.memory_space<hbm>> -> memref<8192x256xf32, #tpu.memory_space<hbm>>
    tpu.wait_indirect_dma semaphore(%arg16 : memref<!tpu.dma_semaphore, #tpu.memory_space<semaphore_mem>>) src(%dma_wait3A_56 : memref<8192x256xf32, #tpu.memory_space<hbm>>) dst(%arg11 : memref<32x256xf32, #tpu.memory_space<vmem>>)
    %dma_start3A_57 = arith.constant 0 : i32
    %dma_start3A_58 = arith.constant 0 : i32
    %dma_start3A_59 = tpu.memref_slice %arg7[%add3A, %dma_start3A_57, %dma_start3A_58] : memref<32x32x256xf32, #tpu.memory_space<hbm>> -> memref<1x32x256xf32, #tpu.memory_space<hbm>>
    %dma_start3A_60 = tpu.memref_squeeze %dma_start3A_59 : memref<1x32x256xf32, #tpu.memory_space<hbm>> -> memref<32x256xf32, #tpu.memory_space<hbm>>
    %dma_start3A_61 = arith.constant 0 : i32
    %dma_start3A_62 = arith.constant 0 : i32
    %dma_start3A_63 = tpu.memref_slice %arg7[%add3A, %dma_start3A_61, %dma_start3A_62] : memref<32x32x256xf32, #tpu.memory_space<hbm>> -> memref<1x32x256xf32, #tpu.memory_space<hbm>>
    %dma_start3A_64 = tpu.memref_squeeze %dma_start3A_63 : memref<1x32x256xf32, #tpu.memory_space<hbm>> -> memref<32x256xf32, #tpu.memory_space<hbm>>
    tpu.enqueue_dma source(%arg11 : memref<32x256xf32, #tpu.memory_space<vmem>>) target(%dma_start3A_64 : memref<32x256xf32, #tpu.memory_space<hbm>>) target_semaphore(%arg16 : memref<!tpu.dma_semaphore, #tpu.memory_space<semaphore_mem>>)
    %dma_wait3A_65 = arith.constant 0 : i32
    %dma_wait3A_66 = arith.constant 0 : i32
    %dma_wait3A_67 = arith.constant 0 : i32
    %dma_wait3A_68 = tpu.memref_slice %arg8[%dma_wait3A_66, %dma_wait3A_67] : memref<256x256xf32, #tpu.memory_space<vmem>> -> memref<128x256xf32, #tpu.memory_space<vmem>>
    %dma_wait3A_69 = arith.constant 0 : i32
    %dma_wait3A_70 = tpu.memref_slice %arg9[%dma_wait3A_65, %dma_wait3A_69] : memref<2x128xi32, #tpu.memory_space<vmem>> -> memref<1x128xi32, #tpu.memory_space<vmem>>
    %dma_wait3A_71 = tpu.memref_squeeze %dma_wait3A_70 : memref<1x128xi32, #tpu.memory_space<vmem>> -> memref<128xi32, #tpu.memory_space<vmem>>
    %dma_wait3A_72 = arith.constant 0 : i32
    %dma_wait3A_73 = arith.constant 0 : i32
    %dma_wait3A_74 = tpu.memref_slice %arg12[%dma_wait3A_72, %dma_wait3A_73] : memref<1024x256xf32, #tpu.memory_space<vmem_shared>> -> memref<1024x256xf32, #tpu.memory_space<vmem_shared>>
    tpu.wait_indirect_dma semaphore(%arg17 : memref<!tpu.dma_semaphore, #tpu.memory_space<semaphore_mem>>) src(%dma_wait3A_68 : memref<128x256xf32, #tpu.memory_space<vmem>>) dst(%dma_wait3A_74 : memref<1024x256xf32, #tpu.memory_space<vmem_shared>>)
    %dma_wait3A_75 = arith.constant 1 : i32
    %dma_wait3A_76 = arith.constant 128 : i32
    %dma_wait3A_77 = arith.constant 0 : i32
    %dma_wait3A_78 = tpu.memref_slice %arg8[%dma_wait3A_76, %dma_wait3A_77] : memref<256x256xf32, #tpu.memory_space<vmem>> -> memref<128x256xf32, #tpu.memory_space<vmem>>
    %dma_wait3A_79 = arith.constant 0 : i32
    %dma_wait3A_80 = tpu.memref_slice %arg9[%dma_wait3A_75, %dma_wait3A_79] : memref<2x128xi32, #tpu.memory_space<vmem>> -> memref<1x128xi32, #tpu.memory_space<vmem>>
    %dma_wait3A_81 = tpu.memref_squeeze %dma_wait3A_80 : memref<1x128xi32, #tpu.memory_space<vmem>> -> memref<128xi32, #tpu.memory_space<vmem>>
    %dma_wait3A_82 = arith.constant 0 : i32
    %dma_wait3A_83 = arith.constant 0 : i32
    %dma_wait3A_84 = tpu.memref_slice %arg12[%dma_wait3A_82, %dma_wait3A_83] : memref<1024x256xf32, #tpu.memory_space<vmem_shared>> -> memref<1024x256xf32, #tpu.memory_space<vmem_shared>>
    tpu.wait_indirect_dma semaphore(%arg18 : memref<!tpu.dma_semaphore, #tpu.memory_space<semaphore_mem>>) src(%dma_wait3A_78 : memref<128x256xf32, #tpu.memory_space<vmem>>) dst(%dma_wait3A_84 : memref<1024x256xf32, #tpu.memory_space<vmem_shared>>)
    %dma_wait3A_85 = arith.constant 0 : i32
    %dma_wait3A_86 = arith.constant 0 : i32
    %dma_wait3A_87 = tpu.memref_slice %arg7[%add3A, %dma_wait3A_85, %dma_wait3A_86] : memref<32x32x256xf32, #tpu.memory_space<hbm>> -> memref<1x32x256xf32, #tpu.memory_space<hbm>>
    %dma_wait3A_88 = tpu.memref_squeeze %dma_wait3A_87 : memref<1x32x256xf32, #tpu.memory_space<hbm>> -> memref<32x256xf32, #tpu.memory_space<hbm>>
    %dma_wait3A_89 = arith.constant 0 : i32
    %dma_wait3A_90 = arith.constant 0 : i32
    %dma_wait3A_91 = tpu.memref_slice %arg7[%add3A, %dma_wait3A_89, %dma_wait3A_90] : memref<32x32x256xf32, #tpu.memory_space<hbm>> -> memref<1x32x256xf32, #tpu.memory_space<hbm>>
    %dma_wait3A_92 = tpu.memref_squeeze %dma_wait3A_91 : memref<1x32x256xf32, #tpu.memory_space<hbm>> -> memref<32x256xf32, #tpu.memory_space<hbm>>
    tpu.wait_dma2 semaphore(%arg16 : memref<!tpu.dma_semaphore, #tpu.memory_space<semaphore_mem>>) src(%arg11 : memref<32x256xf32, #tpu.memory_space<vmem>>) dst(%dma_wait3A_92 : memref<32x256xf32, #tpu.memory_space<hbm>>)
    %barrier3A_93 = arith.constant 0 : index
    tpu.barrier barrier_id(%barrier3A_93)
    %mul3A_94 = arith.constant 64 : i32
    %mul3A_95 = arith.muli %arg1, %mul3A_94 : i32
    %mul3A_96 = arith.constant 64 : i32
    %mul3A_97 = arith.muli %arg1, %mul3A_96 : i32
    "tpu.region"() ({
      %run_scoped3A = tpu.sem_alloc : memref<!tpu.dma_semaphore, #tpu.memory_space<semaphore_mem>>
      %dma_start3A_98 = arith.constant 0 : i32
      %dma_start3A_99 = tpu.memref_slice %arg6[%arg0, %mul3A_97, %dma_start3A_98] : memref<2x1024x256xf32, #tpu.memory_space<hbm>> -> memref<1x64x256xf32, #tpu.memory_space<hbm>>
      %dma_start3A_100 = tpu.memref_squeeze %dma_start3A_99 : memref<1x64x256xf32, #tpu.memory_space<hbm>> -> memref<64x256xf32, #tpu.memory_space<hbm>>
      %dma_start3A_101 = arith.constant 0 : i32
      %dma_start3A_102 = tpu.memref_slice %arg12[%mul3A_95, %dma_start3A_101] : memref<1024x256xf32, #tpu.memory_space<vmem_shared>> -> memref<64x256xf32, #tpu.memory_space<vmem_shared>>
      tpu.enqueue_dma source(%dma_start3A_102 : memref<64x256xf32, #tpu.memory_space<vmem_shared>>) target(%dma_start3A_100 : memref<64x256xf32, #tpu.memory_space<hbm>>) target_semaphore(%run_scoped3A : memref<!tpu.dma_semaphore, #tpu.memory_space<semaphore_mem>>)
      %dma_wait3A_103 = arith.constant 0 : i32
      %dma_wait3A_104 = tpu.memref_slice %arg6[%arg0, %mul3A_97, %dma_wait3A_103] : memref<2x1024x256xf32, #tpu.memory_space<hbm>> -> memref<1x64x256xf32, #tpu.memory_space<hbm>>
      %dma_wait3A_105 = tpu.memref_squeeze %dma_wait3A_104 : memref<1x64x256xf32, #tpu.memory_space<hbm>> -> memref<64x256xf32, #tpu.memory_space<hbm>>
      %dma_wait3A_106 = arith.constant 0 : i32
      %dma_wait3A_107 = tpu.memref_slice %arg12[%mul3A_95, %dma_wait3A_106] : memref<1024x256xf32, #tpu.memory_space<vmem_shared>> -> memref<64x256xf32, #tpu.memory_space<vmem_shared>>
      tpu.wait_dma2 semaphore(%run_scoped3A : memref<!tpu.dma_semaphore, #tpu.memory_space<semaphore_mem>>) src(%dma_wait3A_107 : memref<64x256xf32, #tpu.memory_space<vmem_shared>>) dst(%dma_wait3A_105 : memref<64x256xf32, #tpu.memory_space<hbm>>)
      tpu.yield
    }) : () -> ()
    return
  }
}

module attributes {stable_mosaic.version = 14 : i64} {
  func.func @_assign_body(%arg0: i32, %arg1: memref<256x256xf32, #tpu.memory_space<vmem>>, %arg2: memref<256x1024xf32, #tpu.memory_space<vmem>>, %arg3: memref<1x1x256xi32, #tpu.memory_space<vmem>>, %arg4: memref<1x1x1024xf32, #tpu.memory_space<vmem>>) attributes {dimension_semantics = [#tpu.dimension_semantics<arbitrary>], iteration_bounds = array<i64: 32>, scalar_prefetch = 0 : i64, scratch_operands = 0 : i64, tpu.core_type = #tpu.core_type<tc>, window_params = [{transform_indices = @transform_0, window_bounds = array<i64: 256, 256>}, {pipeline_mode = #tpu.pipeline_mode<synchronous>, transform_indices = @transform_1, window_bounds = array<i64: 256, 1024>}, {transform_indices = @transform_2, window_bounds = array<i64: 1, 1, 256>}, {transform_indices = @transform_3, window_bounds = array<i64: 1, 1, 1024>}]} {
    %get3A = arith.constant 0 : index
    %get3A_0 = arith.constant 0 : index
    %get3A_1 = vector.load %arg1[%get3A, %get3A_0] : memref<256x256xf32, #tpu.memory_space<vmem>>, vector<256x256xf32>
    %get3A_2 = arith.constant 0 : index
    %get3A_3 = arith.constant 0 : index
    %get3A_4 = vector.load %arg2[%get3A_2, %get3A_3] : memref<256x1024xf32, #tpu.memory_space<vmem>>, vector<256x1024xf32>
    %dot_general3A = arith.constant dense<0.000000e+00> : vector<256x1024xf32>
    %dot_general3A_5 = tpu.matmul %get3A_1, %get3A_4, %dot_general3A {dimension_numbers = #tpu.dot_dimension_numbers<[1], [0], [0], [1], [0, 0, 1, 1], [], []>, transpose_lhs_hint = false} : vector<256x256xf32>, vector<256x1024xf32>, vector<256x1024xf32> -> vector<256x1024xf32>
    %mul3A = arith.mulf %get3A_4, %get3A_4 : vector<256x1024xf32>
    %reduce_sum3A = arith.constant dense<0.000000e+00> : vector<1024xf32>
    %reduce_sum3A_6 = vector.multi_reduction <add>, %mul3A, %reduce_sum3A [0] : vector<256x1024xf32> to vector<1024xf32>
    %broadcast_in_dim3A = vector.shape_cast %reduce_sum3A_6 : vector<1024xf32> to vector<1x1024xf32>
    %mul3A_7 = arith.constant 2.000000e+00 : f32
    %mul3A_8 = vector.broadcast %mul3A_7 : f32 to vector<256x1024xf32>
    %mul3A_9 = arith.mulf %mul3A_8, %dot_general3A_5 : vector<256x1024xf32>
    %sub3A = vector.broadcast %broadcast_in_dim3A : vector<1x1024xf32> to vector<256x1024xf32>
    %sub3A_10 = arith.subf %sub3A, %mul3A_9 : vector<256x1024xf32>
    %argmin3A = tpu.reduce_index %sub3A_10 {axis = 1 : i32, kind = #tpu.reduction_kind<arg_min>} : vector<256x1024xf32> -> vector<256xi32>
    %swap3A = arith.constant 0 : index
    %swap3A_11 = arith.constant 0 : index
    %swap3A_12 = arith.constant 0 : index
    %swap3A_13 = vector.load %arg3[%swap3A, %swap3A_11, %swap3A_12] : memref<1x1x256xi32, #tpu.memory_space<vmem>>, vector<1x1x256xi32>
    %swap3A_14 = vector.shape_cast %swap3A_13 : vector<1x1x256xi32> to vector<256xi32>
    %swap3A_15 = vector.shape_cast %argmin3A : vector<256xi32> to vector<1x1x256xi32>
    tpu.vector_store %arg3[%swap3A, %swap3A_11, %swap3A_12], %swap3A_15 {strides = array<i32>} : memref<1x1x256xi32, #tpu.memory_space<vmem>>, vector<1x1x256xi32>,
    %reduce_min3A = arith.constant dense<0x7F800000> : vector<256xf32>
    %reduce_min3A_16 = vector.multi_reduction <minimumf>, %sub3A_10, %reduce_min3A [1] : vector<256x1024xf32> to vector<256xf32>
    %broadcast_in_dim3A_17 = vector.shape_cast %reduce_min3A_16 : vector<256xf32> to vector<256x1xf32>
    %eq3A = vector.broadcast %broadcast_in_dim3A_17 : vector<256x1xf32> to vector<256x1024xf32>
    %eq3A_18 = arith.cmpf oeq, %sub3A_10, %eq3A : vector<256x1024xf32>
    %convert_element_type3A = arith.extui %eq3A_18 : vector<256x1024xi1> to vector<256x1024xi32>
    %convert_element_type3A_19 = arith.sitofp %convert_element_type3A : vector<256x1024xi32> to vector<256x1024xf32>
    %reduce_sum3A_20 = arith.constant dense<0.000000e+00> : vector<1024xf32>
    %reduce_sum3A_21 = vector.multi_reduction <add>, %convert_element_type3A_19, %reduce_sum3A_20 [0] : vector<256x1024xf32> to vector<1024xf32>
    %swap3A_22 = arith.constant 0 : index
    %swap3A_23 = arith.constant 0 : index
    %swap3A_24 = arith.constant 0 : index
    %swap3A_25 = vector.load %arg4[%swap3A_22, %swap3A_23, %swap3A_24] : memref<1x1x1024xf32, #tpu.memory_space<vmem>>, vector<1x1x1024xf32>
    %swap3A_26 = vector.shape_cast %swap3A_25 : vector<1x1x1024xf32> to vector<1024xf32>
    %swap3A_27 = vector.shape_cast %reduce_sum3A_21 : vector<1024xf32> to vector<1x1x1024xf32>
    tpu.vector_store %arg4[%swap3A_22, %swap3A_23, %swap3A_24], %swap3A_27 {strides = array<i32>} : memref<1x1x1024xf32, #tpu.memory_space<vmem>>, vector<1x1x1024xf32>,
    return
  }
  func.func @transform_0(%arg0: i32) -> (i32, i32) {
    %c0_i32 = arith.constant 0 : i32
    %c0_i32_0 = arith.constant 0 : i32
    return %arg0, %c0_i32 : i32, i32
  }
  func.func @transform_1(%arg0: i32) -> (i32, i32) {
    %c0_i32 = arith.constant 0 : i32
    %c0_i32_0 = arith.constant 0 : i32
    %c0_i32_1 = arith.constant 0 : i32
    return %c0_i32, %c0_i32_0 : i32, i32
  }
  func.func @transform_2(%arg0: i32) -> (i32, i32, i32) {
    %c0_i32 = arith.constant 0 : i32
    %c0_i32_0 = arith.constant 0 : i32
    %c0_i32_1 = arith.constant 0 : i32
    return %arg0, %c0_i32, %c0_i32_0 : i32, i32, i32
  }
  func.func @transform_3(%arg0: i32) -> (i32, i32, i32) {
    %c0_i32 = arith.constant 0 : i32
    %c0_i32_0 = arith.constant 0 : i32
    %c0_i32_1 = arith.constant 0 : i32
    return %arg0, %c0_i32, %c0_i32_0 : i32, i32, i32
  }
}

module attributes {stable_mosaic.version = 14 : i64} {
  func.func @_update_body(%arg0: memref<1024x256xf32, #tpu.memory_space<vmem>>, %arg1: memref<1024x1xf32, #tpu.memory_space<vmem>>, %arg2: memref<2x1024x256xf32, #tpu.memory_space<vmem>>, %arg3: memref<32x1024xf32, #tpu.memory_space<vmem>>, %arg4: memref<1024x256xf32, #tpu.memory_space<vmem>>, %arg5: memref<1024x256xf32, #tpu.memory_space<vmem>>, %arg6: memref<1024x1xf32, #tpu.memory_space<vmem>>, %arg7: memref<1024x1xi32, #tpu.memory_space<vmem>>, %arg8: memref<1x1xf32, #tpu.memory_space<vmem>>) attributes {dimension_semantics = [], scalar_prefetch = 0 : i64, scratch_operands = 0 : i64, tpu.core_type = #tpu.core_type<tc>} {
    %get3A = arith.constant 0 : index
    %get3A_0 = arith.constant 0 : index
    %get3A_1 = vector.load %arg0[%get3A, %get3A_0] : memref<1024x256xf32, #tpu.memory_space<vmem>>, vector<1024x256xf32>
    %get3A_2 = arith.constant 0 : index
    %get3A_3 = arith.constant 0 : index
    %get3A_4 = vector.load %arg1[%get3A_2, %get3A_3] : memref<1024x1xf32, #tpu.memory_space<vmem>>, vector<1024x1xf32>
    %get3A_5 = arith.constant 0 : index
    %get3A_6 = arith.constant 0 : index
    %get3A_7 = arith.constant 0 : index
    %get3A_8 = vector.load %arg2[%get3A_5, %get3A_6, %get3A_7] : memref<2x1024x256xf32, #tpu.memory_space<vmem>>, vector<2x1024x256xf32>
    %slice3A = vector.extract_strided_slice %get3A_8 {offsets = [0, 0, 0], sizes = [1, 1024, 256], strides = [1, 1, 1]} : vector<2x1024x256xf32> to vector<1x1024x256xf32>
    %squeeze3A = vector.shape_cast %slice3A : vector<1x1024x256xf32> to vector<1024x256xf32>
    %slice3A_9 = vector.extract_strided_slice %get3A_8 {offsets = [1, 0, 0], sizes = [1, 1024, 256], strides = [1, 1, 1]} : vector<2x1024x256xf32> to vector<1x1024x256xf32>
    %squeeze3A_10 = vector.shape_cast %slice3A_9 : vector<1x1024x256xf32> to vector<1024x256xf32>
    %add3A = arith.addf %squeeze3A, %squeeze3A_10 : vector<1024x256xf32>
    %broadcast_in_dim3A = arith.constant 1.000000e+00 : f32
    %broadcast_in_dim3A_11 = vector.broadcast %broadcast_in_dim3A : f32 to vector<32x1xf32>
    %get3A_12 = arith.constant 0 : index
    %get3A_13 = arith.constant 0 : index
    %get3A_14 = vector.load %arg3[%get3A_12, %get3A_13] : memref<32x1024xf32, #tpu.memory_space<vmem>>, vector<32x1024xf32>
    %dot_general3A = arith.constant dense<0.000000e+00> : vector<1024x1xf32>
    %dot_general3A_15 = tpu.matmul %get3A_14, %broadcast_in_dim3A_11, %dot_general3A {dimension_numbers = #tpu.dot_dimension_numbers<[0], [0], [1], [1], [0, 1, 1, 1], [], []>, transpose_lhs_hint = false} : vector<32x1024xf32>, vector<32x1xf32>, vector<1024x1xf32> -> vector<1024x1xf32>
    %eq3A = arith.constant 0.000000e+00 : f32
    %eq3A_16 = vector.broadcast %eq3A : f32 to vector<1024x1xf32>
    %eq3A_17 = arith.cmpf oeq, %get3A_4, %eq3A_16 : vector<1024x1xf32>
    %eq3A_18 = arith.constant 0.000000e+00 : f32
    %eq3A_19 = vector.broadcast %eq3A_18 : f32 to vector<1024x1xf32>
    %eq3A_20 = arith.cmpf oeq, %dot_general3A_15, %eq3A_19 : vector<1024x1xf32>
    %and3A = arith.andi %eq3A_17, %eq3A_20 : vector<1024x1xi1>
    %jit3A = arith.constant 1.000000e+00 : f32
    %broadcast_in_dim3A_21 = vector.broadcast %jit3A : f32 to vector<1024x1xf32>
    %select_n3A = arith.select %and3A, %broadcast_in_dim3A_21, %dot_general3A_15 : vector<1024x1xi1>, vector<1024x1xf32>
    %get3A_22 = arith.constant 0 : index
    %get3A_23 = arith.constant 0 : index
    %get3A_24 = vector.load %arg4[%get3A_22, %get3A_23] : memref<1024x256xf32, #tpu.memory_space<vmem>>, vector<1024x256xf32>
    %broadcast_in_dim3A_25 = vector.shape_cast %and3A : vector<1024x1xi1> to vector<1024x1xi1>
    %broadcast_in_dim3A_26 = vector.broadcast %broadcast_in_dim3A_25 : vector<1024x1xi1> to vector<1024x256xi1>
    %select_n3A_27 = arith.select %broadcast_in_dim3A_26, %get3A_24, %add3A : vector<1024x256xi1>, vector<1024x256xf32>
    %add3A_28 = arith.addf %get3A_4, %select_n3A : vector<1024x1xf32>
    %gt3A = arith.constant 0.000000e+00 : f32
    %gt3A_29 = vector.broadcast %gt3A : f32 to vector<1024x1xf32>
    %gt3A_30 = arith.cmpf ogt, %add3A_28, %gt3A_29 : vector<1024x1xf32>
    %jit3A_31 = arith.constant 1.000000e+00 : f32
    %broadcast_in_dim3A_32 = vector.broadcast %jit3A_31 : f32 to vector<1024x1xf32>
    %select_n3A_33 = arith.select %gt3A_30, %add3A_28, %broadcast_in_dim3A_32 : vector<1024x1xi1>, vector<1024x1xf32>
    %mul3A = vector.broadcast %get3A_4 : vector<1024x1xf32> to vector<1024x256xf32>
    %mul3A_34 = arith.mulf %get3A_1, %mul3A : vector<1024x256xf32>
    %add3A_35 = arith.addf %mul3A_34, %select_n3A_27 : vector<1024x256xf32>
    %div3A = vector.broadcast %select_n3A_33 : vector<1024x1xf32> to vector<1024x256xf32>
    %div3A_36 = arith.divf %add3A_35, %div3A : vector<1024x256xf32>
    %gt3A_37 = arith.constant 0.000000e+00 : f32
    %gt3A_38 = vector.broadcast %gt3A_37 : f32 to vector<1024x1xf32>
    %gt3A_39 = arith.cmpf ogt, %select_n3A, %gt3A_38 : vector<1024x1xf32>
    %broadcast_in_dim3A_40 = vector.shape_cast %gt3A_39 : vector<1024x1xi1> to vector<1024x1xi1>
    %broadcast_in_dim3A_41 = vector.broadcast %broadcast_in_dim3A_40 : vector<1024x1xi1> to vector<1024x256xi1>
    %select_n3A_42 = arith.select %broadcast_in_dim3A_41, %div3A_36, %get3A_1 : vector<1024x256xi1>, vector<1024x256xf32>
    %swap3A = arith.constant 0 : index
    %swap3A_43 = arith.constant 0 : index
    %swap3A_44 = vector.load %arg5[%swap3A, %swap3A_43] : memref<1024x256xf32, #tpu.memory_space<vmem>>, vector<1024x256xf32>
    tpu.vector_store %arg5[%swap3A, %swap3A_43], %select_n3A_42 {strides = array<i32>} : memref<1024x256xf32, #tpu.memory_space<vmem>>, vector<1024x256xf32>,
    %dot_general3A_45 = arith.constant dense<0.000000e+00> : vector<1024x1024xf32>
    %dot_general3A_46 = tpu.matmul %select_n3A_42, %select_n3A_42, %dot_general3A_45 {dimension_numbers = #tpu.dot_dimension_numbers<[1], [1], [0], [0], [0, 0, 1, 0], [], []>, transpose_lhs_hint = false} : vector<1024x256xf32>, vector<1024x256xf32>, vector<1024x1024xf32> -> vector<1024x1024xf32>
    %mul3A_47 = arith.mulf %select_n3A_42, %select_n3A_42 : vector<1024x256xf32>
    %reduce_sum3A = arith.constant dense<0.000000e+00> : vector<1024xf32>
    %reduce_sum3A_48 = vector.multi_reduction <add>, %mul3A_47, %reduce_sum3A [1] : vector<1024x256xf32> to vector<1024xf32>
    %broadcast_in_dim3A_49 = vector.shape_cast %reduce_sum3A_48 : vector<1024xf32> to vector<1024x1xf32>
    %broadcast_in_dim3A_50 = arith.constant 1.000000e+00 : f32
    %broadcast_in_dim3A_51 = vector.broadcast %broadcast_in_dim3A_50 : f32 to vector<1024x1xf32>
    %dot_general3A_52 = arith.constant dense<0.000000e+00> : vector<1024x1024xf32>
    %dot_general3A_53 = tpu.matmul %broadcast_in_dim3A_51, %broadcast_in_dim3A_49, %dot_general3A_52 {dimension_numbers = #tpu.dot_dimension_numbers<[1], [1], [0], [0], [0, 0, 1, 0], [], []>, transpose_lhs_hint = false} : vector<1024x1xf32>, vector<1024x1xf32>, vector<1024x1024xf32> -> vector<1024x1024xf32>
    %add3A_54 = vector.broadcast %broadcast_in_dim3A_49 : vector<1024x1xf32> to vector<1024x1024xf32>
    %add3A_55 = arith.addf %add3A_54, %dot_general3A_53 : vector<1024x1024xf32>
    %mul3A_56 = arith.constant 2.000000e+00 : f32
    %mul3A_57 = vector.broadcast %mul3A_56 : f32 to vector<1024x1024xf32>
    %mul3A_58 = arith.mulf %mul3A_57, %dot_general3A_46 : vector<1024x1024xf32>
    %sub3A = arith.subf %add3A_55, %mul3A_58 : vector<1024x1024xf32>
    %iota3A = tpu.iota {dimensions = array<i32: 0>} : vector<1024x1024xi32>
    %iota3A_59 = tpu.iota {dimensions = array<i32: 1>} : vector<1024x1024xi32>
    %lt3A = arith.constant 2.500000e-01 : f32
    %lt3A_60 = vector.broadcast %lt3A : f32 to vector<1024x1024xf32>
    %lt3A_61 = arith.cmpf olt, %sub3A, %lt3A_60 : vector<1024x1024xf32>
    %gt3A_62 = arith.cmpi sgt, %iota3A_59, %iota3A : vector<1024x1024xi32>
    %and3A_63 = arith.andi %lt3A_61, %gt3A_62 : vector<1024x1024xi1>
    %dot_general3A_64 = arith.constant dense<0.000000e+00> : vector<1024x1024xf32>
    %dot_general3A_65 = tpu.matmul %broadcast_in_dim3A_51, %add3A_28, %dot_general3A_64 {dimension_numbers = #tpu.dot_dimension_numbers<[1], [1], [0], [0], [0, 0, 1, 0], [], []>, transpose_lhs_hint = false} : vector<1024x1xf32>, vector<1024x1xf32>, vector<1024x1024xf32> -> vector<1024x1024xf32>
    %le3A = vector.broadcast %add3A_28 : vector<1024x1xf32> to vector<1024x1024xf32>
    %le3A_66 = arith.cmpf ole, %le3A, %dot_general3A_65 : vector<1024x1024xf32>
    %and3A_67 = arith.andi %and3A_63, %le3A_66 : vector<1024x1024xi1>
    %jit3A_68 = arith.constant 1.000000e+00 : f32
    %jit3A_69 = arith.constant 0.000000e+00 : f32
    %broadcast_in_dim3A_70 = vector.broadcast %jit3A_68 : f32 to vector<1024x1024xf32>
    %broadcast_in_dim3A_71 = vector.broadcast %jit3A_69 : f32 to vector<1024x1024xf32>
    %select_n3A_72 = arith.select %and3A_67, %broadcast_in_dim3A_70, %broadcast_in_dim3A_71 : vector<1024x1024xi1>, vector<1024x1024xf32>
    %reduce_max3A = arith.constant dense<0xFF800000> : vector<1024xf32>
    %reduce_max3A_73 = vector.multi_reduction <maximumf>, %select_n3A_72, %reduce_max3A [1] : vector<1024x1024xf32> to vector<1024xf32>
    %broadcast_in_dim3A_74 = vector.shape_cast %reduce_max3A_73 : vector<1024xf32> to vector<1024x1xf32>
    %not3A = arith.constant dense<true> : vector<1024x1024xi1>
    %not3A_75 = arith.xori %le3A_66, %not3A : vector<1024x1024xi1>
    %and3A_76 = arith.andi %and3A_63, %not3A_75 : vector<1024x1024xi1>
    %jit3A_77 = arith.constant 1.000000e+00 : f32
    %jit3A_78 = arith.constant 0.000000e+00 : f32
    %broadcast_in_dim3A_79 = vector.broadcast %jit3A_77 : f32 to vector<1024x1024xf32>
    %broadcast_in_dim3A_80 = vector.broadcast %jit3A_78 : f32 to vector<1024x1024xf32>
    %select_n3A_81 = arith.select %and3A_76, %broadcast_in_dim3A_79, %broadcast_in_dim3A_80 : vector<1024x1024xi1>, vector<1024x1024xf32>
    %dot_general3A_82 = arith.constant dense<0.000000e+00> : vector<1024x1xf32>
    %dot_general3A_83 = tpu.matmul %select_n3A_81, %broadcast_in_dim3A_51, %dot_general3A_82 {dimension_numbers = #tpu.dot_dimension_numbers<[0], [0], [1], [1], [0, 1, 1, 1], [], []>, transpose_lhs_hint = false} : vector<1024x1024xf32>, vector<1024x1xf32>, vector<1024x1xf32> -> vector<1024x1xf32>
    %gt3A_84 = arith.constant 0.000000e+00 : f32
    %gt3A_85 = vector.broadcast %gt3A_84 : f32 to vector<1024x1xf32>
    %gt3A_86 = arith.cmpf ogt, %dot_general3A_83, %gt3A_85 : vector<1024x1xf32>
    %jit3A_87 = arith.constant 1.000000e+00 : f32
    %jit3A_88 = arith.constant 0.000000e+00 : f32
    %broadcast_in_dim3A_89 = vector.broadcast %jit3A_87 : f32 to vector<1024x1xf32>
    %broadcast_in_dim3A_90 = vector.broadcast %jit3A_88 : f32 to vector<1024x1xf32>
    %select_n3A_91 = arith.select %gt3A_86, %broadcast_in_dim3A_89, %broadcast_in_dim3A_90 : vector<1024x1xi1>, vector<1024x1xf32>
    %max3A = arith.maximumf %broadcast_in_dim3A_74, %select_n3A_91 : vector<1024x1xf32>
    %swap3A_92 = arith.constant 0 : index
    %swap3A_93 = arith.constant 0 : index
    %swap3A_94 = vector.load %arg6[%swap3A_92, %swap3A_93] : memref<1024x1xf32, #tpu.memory_space<vmem>>, vector<1024x1xf32>
    tpu.vector_store %arg6[%swap3A_92, %swap3A_93], %max3A {strides = array<i32>} : memref<1024x1xf32, #tpu.memory_space<vmem>>, vector<1024x1xf32>,
    %le3A_95 = arith.cmpi sle, %iota3A_59, %iota3A : vector<1024x1024xi32>
    %convert_element_type3A = arith.extui %le3A_95 : vector<1024x1024xi1> to vector<1024x1024xi32>
    %convert_element_type3A_96 = arith.sitofp %convert_element_type3A : vector<1024x1024xi32> to vector<1024x1024xf32>
    %dot_general3A_97 = arith.constant dense<0.000000e+00> : vector<1024x1xf32>
    %dot_general3A_98 = tpu.matmul %convert_element_type3A_96, %max3A, %dot_general3A_97 {dimension_numbers = #tpu.dot_dimension_numbers<[1], [0], [0], [1], [0, 0, 1, 1], [], []>, transpose_lhs_hint = false} : vector<1024x1024xf32>, vector<1024x1xf32>, vector<1024x1xf32> -> vector<1024x1xf32>
    %reduce_sum3A_99 = vector.shape_cast %max3A : vector<1024x1xf32> to vector<1x1024x1xf32>
    %reduce_sum3A_100 = arith.constant dense<0.000000e+00> : vector<1xf32>
    %reduce_sum3A_101 = vector.multi_reduction <add>, %reduce_sum3A_99, %reduce_sum3A_100 [1, 2] : vector<1x1024x1xf32> to vector<1xf32>
    %reduce_sum3A_102 = vector.shape_cast %reduce_sum3A_101 : vector<1xf32> to vector<1x1x1xf32>
    %reduce_sum3A_103 = vector.extract %reduce_sum3A_102[0, 0, 0] : f32 from vector<1x1x1xf32>
    %broadcast_in_dim3A_104 = vector.broadcast %reduce_sum3A_103 : f32 to vector<1x1xf32>
    %swap3A_105 = arith.constant 0 : index
    %swap3A_106 = arith.constant 0 : index
    %swap3A_107 = vector.load %arg8[%swap3A_105, %swap3A_106] : memref<1x1xf32, #tpu.memory_space<vmem>>, vector<1x1xf32>
    tpu.vector_store %arg8[%swap3A_105, %swap3A_106], %broadcast_in_dim3A_104 {strides = array<i32>} : memref<1x1xf32, #tpu.memory_space<vmem>>, vector<1x1xf32>,
    %sub3A_108 = arith.constant 1.000000e+00 : f32
    %sub3A_109 = vector.broadcast %sub3A_108 : f32 to vector<1024x1xf32>
    %sub3A_110 = arith.subf %dot_general3A_98, %sub3A_109 : vector<1024x1xf32>
    %jit3A_111 = arith.constant 0.000000e+00 : f32
    %jit3A_112 = arith.constant 8.191000e+03 : f32
    %max3A_113 = vector.broadcast %jit3A_111 : f32 to vector<1024x1xf32>
    %max3A_114 = arith.maximumf %max3A_113, %sub3A_110 : vector<1024x1xf32>
    %min3A = vector.broadcast %jit3A_112 : f32 to vector<1024x1xf32>
    %min3A_115 = arith.minimumf %min3A, %max3A_114 : vector<1024x1xf32>
    %convert_element_type3A_116 = arith.fptosi %min3A_115 : vector<1024x1xf32> to vector<1024x1xi32>
    %swap3A_117 = arith.constant 0 : index
    %swap3A_118 = arith.constant 0 : index
    %swap3A_119 = vector.load %arg7[%swap3A_117, %swap3A_118] : memref<1024x1xi32, #tpu.memory_space<vmem>>, vector<1024x1xi32>
    tpu.vector_store %arg7[%swap3A_117, %swap3A_118], %convert_element_type3A_116 {strides = array<i32>} : memref<1024x1xi32, #tpu.memory_space<vmem>>, vector<1024x1xi32>,
    return
  }
}

module attributes {stable_mosaic.version = 14 : i64} {
  func.func @_far_body(%arg0: i32, %arg1: memref<256x256xf32, #tpu.memory_space<vmem>>, %arg2: memref<256x1024xf32, #tpu.memory_space<vmem>>, %arg3: memref<1x1x256xf32, #tpu.memory_space<vmem>>) attributes {dimension_semantics = [#tpu.dimension_semantics<arbitrary>], iteration_bounds = array<i64: 32>, scalar_prefetch = 0 : i64, scratch_operands = 0 : i64, tpu.core_type = #tpu.core_type<tc>, window_params = [{transform_indices = @transform_0, window_bounds = array<i64: 256, 256>}, {pipeline_mode = #tpu.pipeline_mode<synchronous>, transform_indices = @transform_1, window_bounds = array<i64: 256, 1024>}, {transform_indices = @transform_2, window_bounds = array<i64: 1, 1, 256>}]} {
    %get3A = arith.constant 0 : index
    %get3A_0 = arith.constant 0 : index
    %get3A_1 = vector.load %arg1[%get3A, %get3A_0] : memref<256x256xf32, #tpu.memory_space<vmem>>, vector<256x256xf32>
    %get3A_2 = arith.constant 0 : index
    %get3A_3 = arith.constant 0 : index
    %get3A_4 = vector.load %arg2[%get3A_2, %get3A_3] : memref<256x1024xf32, #tpu.memory_space<vmem>>, vector<256x1024xf32>
    %dot_general3A = arith.constant dense<0.000000e+00> : vector<256x1024xf32>
    %dot_general3A_5 = tpu.matmul %get3A_1, %get3A_4, %dot_general3A {dimension_numbers = #tpu.dot_dimension_numbers<[1], [0], [0], [1], [0, 0, 1, 1], [], []>, transpose_lhs_hint = false} : vector<256x256xf32>, vector<256x1024xf32>, vector<256x1024xf32> -> vector<256x1024xf32>
    %mul3A = arith.mulf %get3A_1, %get3A_1 : vector<256x256xf32>
    %reduce_sum3A = arith.constant dense<0.000000e+00> : vector<256xf32>
    %reduce_sum3A_6 = vector.multi_reduction <add>, %mul3A, %reduce_sum3A [1] : vector<256x256xf32> to vector<256xf32>
    %broadcast_in_dim3A = vector.shape_cast %reduce_sum3A_6 : vector<256xf32> to vector<256x1xf32>
    %mul3A_7 = arith.mulf %get3A_4, %get3A_4 : vector<256x1024xf32>
    %reduce_sum3A_8 = arith.constant dense<0.000000e+00> : vector<1024xf32>
    %reduce_sum3A_9 = vector.multi_reduction <add>, %mul3A_7, %reduce_sum3A_8 [0] : vector<256x1024xf32> to vector<1024xf32>
    %broadcast_in_dim3A_10 = vector.shape_cast %reduce_sum3A_9 : vector<1024xf32> to vector<1x1024xf32>
    %add3A = vector.broadcast %broadcast_in_dim3A : vector<256x1xf32> to vector<256x1024xf32>
    %add3A_11 = vector.broadcast %broadcast_in_dim3A_10 : vector<1x1024xf32> to vector<256x1024xf32>
    %add3A_12 = arith.addf %add3A, %add3A_11 : vector<256x1024xf32>
    %mul3A_13 = arith.constant 2.000000e+00 : f32
    %mul3A_14 = vector.broadcast %mul3A_13 : f32 to vector<256x1024xf32>
    %mul3A_15 = arith.mulf %mul3A_14, %dot_general3A_5 : vector<256x1024xf32>
    %sub3A = arith.subf %add3A_12, %mul3A_15 : vector<256x1024xf32>
    %max3A = arith.constant 0.000000e+00 : f32
    %max3A_16 = vector.broadcast %max3A : f32 to vector<256x1024xf32>
    %max3A_17 = arith.maximumf %sub3A, %max3A_16 : vector<256x1024xf32>
    %reduce_max3A = arith.constant dense<0xFF800000> : vector<256xf32>
    %reduce_max3A_18 = vector.multi_reduction <maximumf>, %max3A_17, %reduce_max3A [1] : vector<256x1024xf32> to vector<256xf32>
    %swap3A = arith.constant 0 : index
    %swap3A_19 = arith.constant 0 : index
    %swap3A_20 = arith.constant 0 : index
    %swap3A_21 = vector.load %arg3[%swap3A, %swap3A_19, %swap3A_20] : memref<1x1x256xf32, #tpu.memory_space<vmem>>, vector<1x1x256xf32>
    %swap3A_22 = vector.shape_cast %swap3A_21 : vector<1x1x256xf32> to vector<256xf32>
    %swap3A_23 = vector.shape_cast %reduce_max3A_18 : vector<256xf32> to vector<1x1x256xf32>
    tpu.vector_store %arg3[%swap3A, %swap3A_19, %swap3A_20], %swap3A_23 {strides = array<i32>} : memref<1x1x256xf32, #tpu.memory_space<vmem>>, vector<1x1x256xf32>,
    return
  }
  func.func @transform_0(%arg0: i32) -> (i32, i32) {
    %c0_i32 = arith.constant 0 : i32
    %c0_i32_0 = arith.constant 0 : i32
    return %arg0, %c0_i32 : i32, i32
  }
  func.func @transform_1(%arg0: i32) -> (i32, i32) {
    %c0_i32 = arith.constant 0 : i32
    %c0_i32_0 = arith.constant 0 : i32
    %c0_i32_1 = arith.constant 0 : i32
    return %c0_i32, %c0_i32_0 : i32, i32
  }
  func.func @transform_2(%arg0: i32) -> (i32, i32, i32) {
    %c0_i32 = arith.constant 0 : i32
    %c0_i32_0 = arith.constant 0 : i32
    %c0_i32_1 = arith.constant 0 : i32
    return %arg0, %c0_i32, %c0_i32_0 : i32, i32, i32
  }
}

</mosaic_0001>

<sc_bundles>
// kernel: kernel.5.cloned.1.call-start
scs
__scs_entry_jumppad:
0x0: {  	(pc) =	sbr.rel $0x88, $3  }
0x1: {  	(tag) =	ssettag $0x0;
	lr =	simm.s32 $0x1  }
0x2: {  	[smem:$0x3F9E] =	sst lr;
	_ =	strace $0xD0000000  }
0x3: {  	_ = 	snop  }
0x4: {  	_ = 	snop  }
0x5: {  	_ = 	snop  }
0x6: {  	_ = 	snop  }
0x7: {  	_ = 	snop  }
__scs_overlays_trampoline_lowered:
0x8: {  	[smem:$0x3FAD] =	sst s0  }
0x9: {  	[smem:$0x3FAE] =	sst s1  }
0xa: {  	[smem:$0x3FAF] =	sst s2  }
0xb: {  	[smem:$0x3FB0] =	sst s3  }
0xc: {  	[smem:$0x3FB1] =	sst s4  }
0xd: {  	[smem:$0x3FB2] =	sst s5  }
0xe: {  	[smem:$0x3FB3] =	sst s6  }
0xf: {  	[smem:$0x3FB4] =	sst s7  }
0x10: {  	[smem:$0x3FB5] =	sst s8  }
0x11: {  	[smem:$0x3FB6] =	sst s9;
	s0 =	simm.s32 @!p0 $0x0  }
0x12: {  	s1 =	sld [smem:$0x3F9C];
	s0 =	simm.s32 @p0 $0x1  }
0x13: {  	[smem:$0x3FB7] =	sst s0;
	s0 =	simm.s32 @!p1 $0x0  }
0x14: {  	s2 =	sld [smem:$0x3F9B];
	s0 =	simm.s32 @p1 $0x1  }
0x15: {  	[smem:$0x3FB8] =	sst s0;
	s0 =	simm.s32 @!p2 $0x0  }
0x16: {  	s3 =	sld [smem:$0x3FDB];
	s0 =	simm.s32 @p2 $0x1  }
0x17: {  	s4 =	simm.s32 $0x1BF5;
	[smem:$0x3FBA] =	sst s0  }
0x18: {  	s0 =	sld [smem:$0x3F9D];
	_ =	swait.ge [sflag:s4], $0x0  }
0x19: {  	s7 =	sld [smem:$0x3F9E]  }
0x1a: {  	s8 =	sadd.s32 $0xFFFFE003, lr  }
0x1b: {  	s9 =	sadd.s32 $0xFFFFFEF7, lr;
	s5 =	simm.s32 $0xFFFFFFFF;
	p2 =	slt.u32 s8, $0xFFFFF086  }
0x1c: {  	p1 =	slt.u32 s9, $0xF7A;
	s5 =	simm.s32 @!p2 $0x0  }
0x1d: {  	s5 =	simm.s32 @p1 $0x1;
	p0 =	seq.s32 s7, s2  }
0x1e: {  	s7 =	smul.u32 @!p0 $0xF7A, s2;
	p2 =	seq.s32 @!p0 s5, $0x0  }
0x1f: {  	s9 =	smul.u32 $0xF7A, s1;
	s8 =	simm.s32 @!p0 $0x1BF5;
	p2 =	por !p2, p0  }
0x20: {  	[sflag:s8] =	ssyncset.s32 @!p0 $0xFFFFF086;
	s6 =	sadd.s32 @!p0 s3, s7;
	s7 =	simm.s32 @!p0 $0x108  }
0x21: {  	s3 =	sadd.s32 s3, s9;
	s6 =	sadd.s32 @!p0 $0x88, s6;
	s7 =	simm.s32 @p2 $0x1082  }
0x22: {  	[simem:s7], [sflag:s8] =	dma.local @!p0 [hbm:s6], $0xF7A  }
0x23: {  	s9 =	sor.u32 $0xD0000000, s2;
	s6 =	simm.s32 $0x108;
	_ =	swait.ge @!p0 [sflag:s8], $0x0  }
0x24: {  	s3 =	sadd.s32 $0x88, s3;
	s6 =	simm.s32 @!p1 $0x1082;
	[sflag:s4] =	ssyncset.s32 $0xFFFFF086  }
0x25: {  	[simem:s6], [sflag:s4] =	dma.local [hbm:s3], $0xF7A  }
0x26: {  	[smem:$0x3F9E] =	sst s1;
	(tag) =	ssettag s2;
	_ =	strace s9  }
0x27: {  	s1 =	sld [smem:$0x3FAE]  }
0x28: {  	s2 =	sld [smem:$0x3FAF]  }
0x29: {  	s4 =	sld [smem:$0x3FB1]  }
0x2a: {  	p0 =	seq.s32 s5, $0x0;
	s5 =	sld [smem:$0x3FB2]  }
0x2b: {  	s6 =	sld [smem:$0x3FB3]  }
0x2c: {  	s7 =	sld [smem:$0x3FB4]  }
0x2d: {  	s3 =	simm.s32 $0x108;
	s8 =	sld [smem:$0x3FB5]  }
0x2e: {  	s3 =	simm.s32 @!p0 $0x1082;
	s9 =	sld [smem:$0x3FB6]  }
0x2f: {  	lr =	sadd.s32 s0, s3;
	s0 =	sld [smem:$0x3FAD]  }
0x30: {  	s3 =	sld [smem:$0x3FB0]  }
0x31: {  	[smem:$0x3FB9] =	sst s10  }
0x32: {  	s10 =	sld [smem:$0x3FB7];
	_ =	sdelay $0x3  }
0x33: {  	p0 =	seq.s32 s10, $0x1;
	s10 =	sld [smem:$0x3FB9];
	_ =	sdelay $0x3  }
0x34: {  	[smem:$0x3FB9] =	sst s10  }
0x35: {  	s10 =	sld [smem:$0x3FB8];
	_ =	sdelay $0x3  }
0x36: {  	p1 =	seq.s32 s10, $0x1;
	s10 =	sld [smem:$0x3FB9];
	_ =	sdelay $0x3  }
0x37: {  	[smem:$0x3FB9] =	sst s10  }
0x38: {  	s10 =	sld [smem:$0x3FBA]  }
0x39: {  	_ = 	snop;
	(pc) =	sbr.ind lr, $3  }
0x3a: {  	_ = 	snop  }
0x3b: {  	_ = 	snop  }
0x3c: {  	p2 =	seq.s32 s10, $0x1;
	s10 =	sld [smem:$0x3FB9]  }
0x3d: {  	_ =	shalt  }
0x3e: {  	_ =	shalt  }
0x3f: {  	_ =	shalt  }
0x40: {  	_ =	shalt  }
0x41: {  	_ =	shalt  }
0x42: {  	_ =	shalt  }
0x43: {  	_ =	shalt  }
0x44: {  	_ =	shalt  }
0x45: {  	_ =	shalt  }
0x46: {  	_ =	shalt  }
0x47: {  	_ =	shalt  }
0x48: {  	_ =	shalt  }
0x49: {  	_ =	shalt  }
0x4a: {  	_ =	shalt  }
0x4b: {  	_ =	shalt  }
0x4c: {  	_ =	shalt  }
0x4d: {  	_ =	shalt  }
0x4e: {  	_ =	shalt  }
0x4f: {  	_ =	shalt  }
0x50: {  	_ =	shalt  }
0x51: {  	_ =	shalt  }
0x52: {  	_ =	shalt  }
0x53: {  	_ =	shalt  }
0x54: {  	_ =	shalt  }
0x55: {  	_ =	shalt  }
0x56: {  	_ =	shalt  }
0x57: {  	_ =	shalt  }
0x58: {  	_ =	shalt  }
0x59: {  	_ =	shalt  }
0x5a: {  	_ =	shalt  }
0x5b: {  	_ =	shalt  }
0x5c: {  	_ =	shalt  }
0x5d: {  	_ =	shalt  }
0x5e: {  	_ =	shalt  }
0x5f: {  	_ =	shalt  }
0x60: {  	_ =	shalt  }
0x61: {  	_ =	shalt  }
0x62: {  	_ =	shalt  }
0x63: {  	_ =	shalt  }
0x64: {  	_ =	shalt  }
0x65: {  	_ =	shalt  }
0x66: {  	_ =	shalt  }
0x67: {  	_ =	shalt  }
0x68: {  	_ =	shalt  }
0x69: {  	_ =	shalt  }
0x6a: {  	_ =	shalt  }
0x6b: {  	_ =	shalt  }
0x6c: {  	_ =	shalt  }
0x6d: {  	_ =	shalt  }
0x6e: {  	_ =	shalt  }
0x6f: {  	_ =	shalt  }
0x70: {  	_ =	shalt  }
0x71: {  	_ =	shalt  }
0x72: {  	_ =	shalt  }
0x73: {  	_ =	shalt  }
0x74: {  	_ =	shalt  }
0x75: {  	_ =	shalt  }
0x76: {  	_ =	shalt  }
0x77: {  	_ =	shalt  }
0x78: {  	_ =	shalt  }
0x79: {  	_ =	shalt  }
0x7a: {  	_ =	shalt  }
0x7b: {  	_ =	shalt  }
0x7c: {  	_ =	shalt  }
0x7d: {  	_ =	shalt  }
0x7e: {  	_ =	shalt  }
0x7f: {  	_ =	shalt  }
0x80: {  	_ =	shalt  }
0x81: {  	_ =	shalt  }
0x82: {  	_ =	shalt  }
0x83: {  	_ =	shalt  }
0x84: {  	_ =	shalt  }
0x85: {  	_ =	shalt  }
0x86: {  	_ =	shalt  }
0x87: {  	_ =	shalt  }
.Lfunc_end0:
.L_simem_size_0:
called_computation_lowered:
.L_overlay_start_0:
0x88: {  	s2 =	sld [smem:$0x3FD9]  }
0x89: {  	s3 =	sld [smem:$0x3FFE];
	_ =	sdelay $0x1  }
0x8a: {  	s1 =	srdreg.scid  }
0x8b: {  	s0 =	sand.u32 $0x1, s1  }
0x8c: {  	s17 =	sshll.u32 s0, $0xA;
	s2 =	sadd.s32 s3, s2  }
0x8d: {  	s2 =	sadd.s32 s2, s17  }
0x8e: {  	[smem:$0x3FC5] =	sst s2  }
0x8f: {  	_ = 	snop  }
0x90: {  	s2 =	sld [smem:$0x3FD0];
	(tm) =	ssettm $0x1  }
0x91: {  	s18 =	sld [smem:$0x3FFB];
	_ =	sdelay $0x3  }
0x92: {  	_ =	strace s18  }
0x93: {  	s3 =	sld [smem:$0x3FFC];
	_ =	sdelay $0x3  }
0x94: {  	_ =	strace s3  }
0x95: {  	s3 =	sld [smem:$0x3FFD];
	_ =	sdelay $0x3  }
0x96: {  	_ =	strace s3  }
0x97: {  	_ =	strace $0x8FFFFFFF  }
0x98: {  	s19 =	sld [smem:$0x3FDB];
	_ =	sdelay $0x1  }
0x99: {  	s4 =	simm.s32 $_scs_section_size  }
0x9a: {  	s5 =	simm.s32 $_size__tile_overlayer_lowered;
	s6 =	simm.s32 $_tile_overlayer_lowered  }
0x9b: {  	s22 =	simm.s32 $0x1BFF;
	s21 =	sshll.u32 s6, $0x1;
	s3 =	sadd.s32 s4, s19  }
0x9c: {  	s7 =	simm.s32 $0x0;
	s20 =	sshll.u32 s5, $0x1;
	s5 =	sadd.s32 s21, s3  }
0x9d: {  	[timem:s7], [sflag:s22] =	dma.local [hbm:s5], s20  }
0x9e: {  	_ =	swait.ge [sflag:s22], s20  }
0x9f: {  	s4 =	ssub.s32 $0x0, s20;
	[sflag:s22] =	ssyncset.done $0x0  }
0xa0: {  	[sflag:s22] =	ssyncadd.s32 s4;
	_ =	sdelay $0x1  }
0xa1: {  	s23 =	simm.s32 $0x1B8B  }
0xa2: {  	_ =	swait.ge [sflag:s23], $0x1  }
0xa3: {  	[sflag:s23] =	ssyncset.done $0x0  }
0xa4: {  	s25 =	simm.s32 $0x1B8E;
	s24 =	sld [smem:$0x3FFE];
	[sflag:s23] =	ssyncadd.s32 $0xFFFFFFFF  }
0xa5: {  	s26 =	simm.s32 $execute0_lowered;
	[smem:$0x3FD2] =	sst s25  }
0xa6: {  	s5 =	sshll.u32 s26, $0x1;
	_ =	strace $0x80000046;
	[dreg:$0x1] =	wrdreg $0xFFFFFFFF  }
0xa7: {  	s28 =	simm.s32 $_size_execute0_lowered;
	s3 =	sadd.s32 s3, s5;
	[dreg:$0x0] =	wrdreg $0x0  }
0xa8: {  	s5 =	sshll.u32 s28, $0x1;
	[dreg:$0x2] =	wrdreg s3  }
0xa9: {  	[dreg:$0x3] =	wrdreg s5  }
0xaa: {  	[dreg:$0x4] =	wrdreg $0xC0  }
0xab: {  	_ =	task [dreg:s7], $0x5FFFF  }
0xac: {  	[dreg:$0x1] =	wrdreg $0xFFFFFFFF  }
0xad: {  	[dreg:$0x0] =	wrdreg $0x60  }
0xae: {  	[dreg:$0x2] =	wrdreg s24  }
0xaf: {  	[dreg:$0x3] =	wrdreg s2  }
0xb0: {  	[dreg:$0x4] =	wrdreg $0x121200  }
0xb1: {  	[dreg:$0x5] =	wrdreg $0x9  }
0xb2: {  	_ =	task.clear_ibuf [dreg:s7], $0x6FFFF;
	_ =	strace $0x90000046  }
0xb3: {  	s29 =	simm.s32 $0x9;
	_ =	strace $0x80000048  }
0xb4: {  	_ =	swait.ge [sflag:s29], $0x1  }
0xb5: {  	[sflag:s29] =	ssyncadd.s32 $0xFFFFFFFF  }
0xb6: {  	_ =	strace $0x90000048  }
0xb7: {  	_ =	sfence  }
0xb8: {  	s30 =	sld [smem:$0x0];
	_ =	sdelay $0x2  }
0xb9: {  	s31 =	sshll.u32 s1, $0xD;
	s1 =	sshrl.u32 s1, $0x2  }
0xba: {  	s3 =	sand.u32 $0x4000, s31;
	s1 =	sadd.s32 s1, s30  }
0xbb: {  	s0 =	sor.u32 s3, s0;
	s1 =	sshll.u32 s1, $0x11  }
0xbc: {  	s0 =	sor.u32 s1, s0  }
0xbd: {  	s0 =	sadd.s32 $0x8F2B, s0  }
0xbe: {  	[sflag:s0] =	ssyncadd.remote.s32 $0x1  }
0xbf: {  	_ =	sfence.sel $0xFFFF  }
0xc0: {  	[dreg:$0x0] =	wrdreg $0xFFFFFFFF;
	(pc) =	sbr.abs _section_cstart, $3  }
0xc1: {  	[dreg:$0x1] =	wrdreg $0xFFFFFFFF  }
0xc2: {  	_ =	task.clear_ibuf [dreg:s7], $0x2FFFF;
	_ =	strace $0x9FFFFFFF  }
0xc3: {  	(tm) =	ssettm $0x7FFFFFFF  }
tec
execute0_lowered:
.L_overlay_start_1:
0x0: {  	(tag) =	ssettag $0x1  }
0x1: {  	s25 =	rddreg [dreg:$0x0]  }
0x2: {  	s22 =	rddreg [dreg:$0x1]  }
0x3: {  	s0 =	srdreg.scid;
	s2 =	rddreg [dreg:$0x2]  }
0x4: {  	s3 =	simm.s32 $0x0;
	s26 =	sand.u32 $0x1, s0;
	s0 =	rddreg [dreg:$0x3]  }
0x5: {  	s1 =	stileid.u32;
	[smem:$0x7FF] =	sst s3  }
0x6: {  	s29 =	sshll.u32 s1, $0xE;
	s28 =	sshll.u32 s1, $0x6;
	s4 =	sshll.u32 s26, $0x4  }
0x7: {  	_ =	strace $0x80000047;
	s8 =	sadd.s32 s29, s2;
	s6 =	sor.u32 $0x1C01, s28  }
0x8: {  	s23 =	sor.u32 s1, s4;
	s4 =	sadd.s32 $0x800, s25;
	s8 =	sshrl.u32 s8, $0x3  }
0x9: {  	s5 =	sshll.u32 s23, $0x5;
	s10 =	sshll.u32 s23, $0x2;
	s7 =	sshll.u32 s23, $0xD  }
0xa: {  	s9 =	sadd.s32 s5, s25;
	s5 =	sadd.s32 $0x40800, s25;
	s7 =	sadd.s32 s4, s7  }
0xb: {  	[spmem:s8], [sflag:s6] =	dma.local [hbm:s5], $0x800  }
0xc: {  	[tilespmem:s3], [sflag:$0x2] =	stream.linear.gather [hbm4b:s7+s3], $0x10000, $0x38;
	[tilespmem:$0x16120] =	vst v63  }
0xd: {  	s11 =	sadd.s32 s10, s25;
	s10 =	simm.s32 $0x10000;
	s9 =	sadd.s32 $0x400, s9  }
0xe: {  	[tilespmem:s10], [sflag:$0x3] =	stream.linear.gather [hbm4b:s9+s3], $0x100, $0x38;
	[tilespmem:$0x16120] =	vst v63  }
0xf: {  	s12 =	simm.s32 $0x10100;
	s13 =	simm.s32 $0x4;
	s11 =	sadd.s32 $0x200, s11  }
0x10: {  	[tilespmem:s12], [sflag:$0x4] =	stream.linear.gather [hbm4b:s11+s3], $0x20, $0x38;
	[tilespmem:$0x16120] =	vst v63  }
0x11: {  	_ =	swait.ge [sflag:s13], $0x20  }
0x12: {  	s14 =	simm.s32 $0x20;
	[sflag:s13] =	ssyncset.done $0x0  }
0x13: {  	s15 =	simm.s32 $0x10120;
	s16 =	simm.s32 $0x1;
	[sflag:s13] =	ssyncadd.s32 $0xFFFFFFE0  }
0x14: {  	[tilespmem:s15], [sflag:$0x4] =	stream.indirect.gather [hbm4b:s4+s14], $0x100, s12, s14, $0xb8;
	[tilespmem:$0x16120] =	vst v63  }
0x15: {  	_ =	swait.ge [sflag:s16], $0x800  }
0x16: {  	[sflag:s16] =	ssyncset.done $0x0  }
0x17: {  	s17 =	simm.s32 $0x2;
	[sflag:s16] =	ssyncadd.s32 $0xFFFFF800  }
0x18: {  	_ =	swait.ge [sflag:s17], $0x10000  }
0x19: {  	[sflag:s17] =	ssyncset.done $0x0  }
0x1a: {  	s18 =	simm.s32 $0x3;
	[sflag:s17] =	ssyncadd.s32 $0xFFFF0000  }
0x1b: {  	_ =	swait.ge [sflag:s18], $0x100  }
0x1c: {  	[sflag:s18] =	ssyncset.done $0x0  }
0x1d: {  	[sflag:s18] =	ssyncadd.s32 $0xFFFFFF00  }
0x1e: {  	s19 =	simm.s32 $0x80;
	[bflag:$0x0] =	sbarrier.arrive $0xFFFF  }
0x1f: {  	[spmem:s2] =	stream.indirect.scatter.add.f32 [tilespmem:s3], [sflag:$0x5], $0x100, s10, s19, $0xb8;
	[tilespmem:$0x16120] =	vst v63  }
0x20: {  	s20 =	simm.s32 $0x10080;
	s21 =	simm.s32 $0x8000  }
0x21: {  	[spmem:s2] =	stream.indirect.scatter.add.f32 [tilespmem:s21], [sflag:$0x6], $0x100, s20, s19, $0xb8;
	[tilespmem:$0x16120] =	vst v63  }
0x22: {  	_ =	swait.ge [sflag:s13], $0x2000  }
0x23: {  	s23 =	sshll.u32 s23, $0xA;
	[sflag:s13] =	ssyncset.done $0x0  }
0x24: {  	s22 =	sadd.s32 s22, s23;
	s23 =	simm.s32 $0x5;
	[sflag:s13] =	ssyncadd.s32 $0xFFFFE000  }
0x25: {  	[hbm4b:s22+s3] =	stream.linear.scatter [tilespmem:s15], [sflag:$0x4], $0x2000, $0x38;
	[tilespmem:$0x16120] =	vst v63  }
0x26: {  	_ =	swait.ge [sflag:s23], $0x8000  }
0x27: {  	[sflag:s23] =	ssyncset.done $0x0  }
0x28: {  	s24 =	simm.s32 $0x6;
	s30 =	sshll.u32 s26, $0x12;
	[sflag:s23] =	ssyncadd.s32 $0xFFFF8000  }
0x29: {  	s26 =	ssub.s32 $0x2, s26;
	s29 =	sor.u32 s29, s30;
	_ =	swait.ge [sflag:s24], $0x8000  }
0x2a: {  	s31 =	sshrl.u32 s26, $0x1;
	s29 =	sshrl.u32 s29, $0x3;
	[sflag:s24] =	ssyncset.done $0x0  }
0x2b: {  	s25 =	sadd.s32 s29, s25;
	s29 =	ssub.s32 s26, s31;
	[sflag:s24] =	ssyncadd.s32 $0xFFFF8000  }
0x2c: {  	s29 =	smax.u32 s29, $0x1;
	_ =	swait.ge [sflag:s13], $0x2000  }
0x2d: {  	p0 =	sne.s32 s29, $0x1;
	[sflag:s13] =	ssyncset.done $0x0  }
.Ltmp0:
0x2e: {  	s26 =	sor.u32 $0x1C07, s28;
	[sflag:s13] =	ssyncadd.s32 $0xFFFFE000;
	(pc) =	sbr.rel @!p0 .LBB2_2-.Ltmp0, $4  }
0x2f: {  	s28 =	simm.s32 $0x7;
	s25 =	sadd.s32 $0x41000, s25;
	[bflag:$0x0] =	sbarrier.arrive $0xFFFF  }
0x30: {  	[hbm:s25], [sflag:s26] =	dma.local [spmem:s8], $0x800  }
0x31: {  	_ =	swait.ge [sflag:s28], $0x800  }
0x32: {  	s29 =	sadd.s32 $0xFFFFFFFF, s29;
	[sflag:s28] =	ssyncset.done $0x0  }
.LBB2_1:
0x33: {  	p0 =	sne.s32 s29, $0x1;
	s29 =	sadd.s32 $0xFFFFFFFF, s29;
	[sflag:s28] =	ssyncadd.s32 $0xFFFFF800  }
0x34: {  	[spmem:s8], [sflag:s6] =	dma.local [hbm:s5], $0x800  }
0x35: {  	[tilespmem:s3], [sflag:$0x2] =	stream.linear.gather [hbm4b:s7+s3], $0x10000, $0x38;
	[tilespmem:$0x16120] =	vst v63  }
0x36: {  	_ = 	snop  }
0x37: {  	[tilespmem:s10], [sflag:$0x3] =	stream.linear.gather [hbm4b:s9+s3], $0x100, $0x38;
	[tilespmem:$0x16120] =	vst v63  }
0x38: {  	_ = 	snop  }
0x39: {  	[tilespmem:s12], [sflag:$0x4] =	stream.linear.gather [hbm4b:s11+s3], $0x20, $0x38;
	[tilespmem:$0x16120] =	vst v63  }
0x3a: {  	_ =	swait.ge [sflag:s13], $0x20  }
0x3b: {  	[sflag:s13] =	ssyncset.done $0x0  }
0x3c: {  	[sflag:s13] =	ssyncadd.s32 $0xFFFFFFE0  }
0x3d: {  	[tilespmem:s15], [sflag:$0x4] =	stream.indirect.gather [hbm4b:s4+s14], $0x100, s12, s14, $0xb8;
	[tilespmem:$0x16120] =	vst v63  }
0x3e: {  	_ =	swait.ge [sflag:s16], $0x800  }
0x3f: {  	[sflag:s16] =	ssyncset.done $0x0  }
0x40: {  	[sflag:s16] =	ssyncadd.s32 $0xFFFFF800  }
0x41: {  	_ =	swait.ge [sflag:s17], $0x10000  }
0x42: {  	[sflag:s17] =	ssyncset.done $0x0  }
0x43: {  	[sflag:s17] =	ssyncadd.s32 $0xFFFF0000  }
0x44: {  	_ =	swait.ge [sflag:s18], $0x100  }
0x45: {  	[sflag:s18] =	ssyncset.done $0x0  }
0x46: {  	[sflag:s18] =	ssyncadd.s32 $0xFFFFFF00  }
0x47: {  	[bflag:$0x0] =	sbarrier.arrive $0xFFFF  }
0x48: {  	[spmem:s2] =	stream.indirect.scatter.add.f32 [tilespmem:s3], [sflag:$0x5], $0x100, s10, s19, $0xb8;
	[tilespmem:$0x16120] =	vst v63  }
0x49: {  	_ = 	snop  }
0x4a: {  	[spmem:s2] =	stream.indirect.scatter.add.f32 [tilespmem:s21], [sflag:$0x6], $0x100, s20, s19, $0xb8;
	[tilespmem:$0x16120] =	vst v63  }
0x4b: {  	_ =	swait.ge [sflag:s13], $0x2000  }
0x4c: {  	[sflag:s13] =	ssyncset.done $0x0  }
0x4d: {  	[sflag:s13] =	ssyncadd.s32 $0xFFFFE000  }
0x4e: {  	[hbm4b:s22+s3] =	stream.linear.scatter [tilespmem:s15], [sflag:$0x4], $0x2000, $0x38;
	[tilespmem:$0x16120] =	vst v63  }
0x4f: {  	_ =	swait.ge [sflag:s23], $0x8000  }
0x50: {  	[sflag:s23] =	ssyncset.done $0x0  }
0x51: {  	[sflag:s23] =	ssyncadd.s32 $0xFFFF8000  }
0x52: {  	_ =	swait.ge [sflag:s24], $0x8000  }
0x53: {  	[sflag:s24] =	ssyncset.done $0x0  }
0x54: {  	[sflag:s24] =	ssyncadd.s32 $0xFFFF8000  }
0x55: {  	_ =	swait.ge [sflag:s13], $0x2000  }
0x56: {  	[sflag:s13] =	ssyncset.done $0x0  }
.Ltmp1:
0x57: {  	[sflag:s13] =	ssyncadd.s32 $0xFFFFE000;
	(pc) =	sbr.rel @p0 .LBB2_1-.Ltmp1, $4  }
0x58: {  	[bflag:$0x0] =	sbarrier.arrive $0xFFFF  }
0x59: {  	[hbm:s25], [sflag:s26] =	dma.local [spmem:s8], $0x800  }
0x5a: {  	_ =	swait.ge [sflag:s28], $0x800  }
0x5b: {  	[sflag:s28] =	ssyncset.done $0x0  }
.LBB2_2:
0x5c: {  	[sflag:s28] =	ssyncadd.s32 $0xFFFFF800  }
0x5d: {  	_ =	sfence.sel $0x180000  }
0x5e: {  	[bflag:$0x0] =	sbarrier.arrive $0xFFFF  }
0x5f: {  	p0 =	sne.s32 s1, $0x0;
	_ =	strace $0x90000047  }
0x60: {  	s0 =	sadd.s32 @!p0 $0x100000, s0;
	[bflag:$0x2] =	sbarrier.arrive $0xFFFF  }
0x61: {  	[sflag:s0] =	ssyncadd.tile.s32 @!p0 $0x1;
	_ =	shalt  }
.Lfunc_end2:
_tile_overlayer_lowered:
.L_overlay_start_2:
0x62: {  	(tag) =	ssettag $0x2  }
0x63: {  	s0 =	rddreg [dreg:$0x0];
	s2 =	stileid.u32  }
0x64: {  	s1 =	rddreg [dreg:$0x1];
	p0 =	sne.s32 s2, $0x0  }
0x65: {  	s3 =	rddreg [dreg:$0x2];
	[bflag:$0x3] =	sbarrier.arrive $0xFFFF;
	s2 =	simm.s32 @!p0 $0x1C07  }
0x66: {  	[timem:s3], [sflag:s2] =	dma.local @!p0 [hbm:s0], s1  }
0x67: {  	s0 =	simm.s32 @!p0 $0x7  }
0x68: {  	_ =	swait.ge @!p0 [sflag:s0], s1  }
0x69: {  	s1 =	ssub.s32 @!p0 $0x0, s1;
	[sflag:s0] =	ssyncset.done @!p0 $0x0  }
0x6a: {  	[sflag:s0] =	ssyncadd.s32 @!p0 s1  }
0x6b: {  	[bflag:$0x3] =	sbarrier.arrive $0xFFFF  }
0x6c: {  	_ =	shalt  }

</sc_bundles>
